<compile_context>
chip_gen: v7x
topology: tpu7x:2x2x1
jax: 0.10.2.dev20260603
libtpu: 0.0.44.dev20260713+nightly
codegen_flags: <defaults>
</compile_context>

<pallas_src>
import jax
import jax.numpy as jnp
from jax import lax
from jax.experimental import pallas as pl
from jax.experimental.pallas import tpu as pltpu
from jax.experimental.pallas import tpu_sc as plsc


def _oracle_body(lu_hbm, out_hbm, lu_s, out_s):
    cid = lax.axis_index("c")

    @pl.when(cid == 0)
    def _():
        pltpu.sync_copy(lu_hbm, lu_s)
        y_tl = lu_s[0]
        fo = jnp.where(
            y_tl <= 3, lu_s[1], jnp.where(y_tl <= 6, lu_s[2], lu_s[3]))
        for i in range(10):
            out_s[i] = jnp.where(fo == i, 1.0, 0.0).astype(jnp.float32)
        pltpu.sync_copy(out_s, out_hbm.at[0])


def kernel(input_ids, look_up):
    del input_ids
    return pl.kernel(
        _oracle_body,
        out_type=jax.ShapeDtypeStruct((1, 10), jnp.float32),
        scratch_types=[
            pltpu.SMEM((4,), jnp.int32),
            pltpu.SMEM((10,), jnp.float32),
        ],
        mesh=plsc.ScalarSubcoreMesh(axis_name="c", num_cores=1),
        compiler_params=pltpu.CompilerParams(needs_layout_passes=False),
    )(look_up.astype(jnp.int32))

# --- scband reference (transcript-rebuilt; emitter-appended) ---
"""Pipeline reference for scband-oracle-54958401519866 (READ-ONLY COPY).

The authoritative reference and input builder live on the scoring server;
editing this copy changes nothing except your own understanding.
"""

import jax, jax.numpy as jnp
import numpy as np


def _get_value(hidden_states):
    # FO = yTR if yTL in {0,1,2,3}; yBL if yTL in {4,5,6}; yBR if yTL in {7,8,9}
    yTL, yTR, yBL, yBR = hidden_states
    return jnp.where(yTL <= 3, yTR, jnp.where(yTL <= 6, yBL, yBR))


def setup_inputs(seed: int = 0) -> dict:
    key = jax.random.key(seed)
    k1, k2 = jax.random.split(key)
    input_ids = jax.random.normal(k1, (256, 80, 80), dtype=jnp.float32)
    look_up = jax.random.randint(k2, (4,), 0, 10, dtype=jnp.int64 if jax.config.read('jax_enable_x64') else jnp.int32)
    return {"input_ids": input_ids, "look_up": look_up}


def reference(input_ids, look_up):
    # quadrant slicing (faithful to original forward; values unused downstream,
    # since each hidden state is overwritten by the oracle look-up)
    tl = input_ids[:, :40, :40][None]
    tr = input_ids[:, :40, 40:][None]
    bl = input_ids[:, 40:, :40][None]
    br = input_ids[:, 40:, 40:][None]
    list_inputs = [tl, tr, bl, br]
    hidden_states = []
    for i, _x in enumerate(list_inputs):
        x = look_up[i]  # oracle_look_up_table: gather
        hidden_states.append(x)
    FO = _get_value([hidden_states[0], hidden_states[1], hidden_states[2], hidden_states[3]])
    tensor_preds = jnp.zeros((1, 10), dtype=jnp.float32).at[0, FO].set(1.0)
    return tensor_preds

if __name__ == "__main__":
    import jax
    _d = setup_inputs()
    print(jax.jit(kernel)(*tuple(_d.values())))

</pallas_src>

<mosaic_0001>
#map = affine_map<(d0) -> (0)>
#map1 = affine_map<(d0) -> (0, 0)>
module attributes {stable_mosaic.version = 14 : i64} {
  func.func @_oracle_body(%arg0: i32, %arg1: memref<4xi32, #tpu.memory_space<hbm>>, %arg2: memref<1x10xf32, #tpu.memory_space<hbm>>, %arg3: memref<4xi32, #tpu.memory_space<smem>>, %arg4: memref<10xf32, #tpu.memory_space<smem>>) attributes {dimension_semantics = [#tpu.dimension_semantics<core_parallel>], iteration_bounds = array<i64: 1>, scalar_prefetch = 0 : i64, scratch_operands = 2 : i64, tpu.core_type = #tpu.core_type<sc_scalar_subcore>, window_params = [{transform_indices = #map}, {transform_indices = #map1}]} {
    %eq3A = arith.constant 0 : i32
    %eq3A_0 = arith.cmpi eq, %arg0, %eq3A : i32
    %convert_element_type3A = arith.extui %eq3A_0 : i1 to i32
    %cond3A = arith.constant 0 : i32
    %cond3A_1 = arith.cmpi ne, %convert_element_type3A, %cond3A : i32
    scf.if %cond3A_1 {
      "tpu.region"() ({
        %run_scoped3A_95 = tpu.sem_alloc : memref<!tpu.dma_semaphore, #tpu.memory_space<semaphore_mem>>
        tpu.enqueue_dma source(%arg1 : memref<4xi32, #tpu.memory_space<hbm>>) target(%arg3 : memref<4xi32, #tpu.memory_space<smem>>) target_semaphore(%run_scoped3A_95 : memref<!tpu.dma_semaphore, #tpu.memory_space<semaphore_mem>>)
        tpu.wait_dma2 semaphore(%run_scoped3A_95 : memref<!tpu.dma_semaphore, #tpu.memory_space<semaphore_mem>>) src(%arg1 : memref<4xi32, #tpu.memory_space<hbm>>) dst(%arg3 : memref<4xi32, #tpu.memory_space<smem>>)
        tpu.yield
      }) : () -> ()
      %get3A = arith.constant 0 : i32
      %get3A_2 = arith.index_cast %get3A : i32 to index
      %get3A_3 = memref.load %arg3[%get3A_2] : memref<4xi32, #tpu.memory_space<smem>>
      %le3A = arith.constant 3 : i32
      %le3A_4 = arith.cmpi sle, %get3A_3, %le3A : i32
      %get3A_5 = arith.constant 1 : i32
      %get3A_6 = arith.index_cast %get3A_5 : i32 to index
      %get3A_7 = memref.load %arg3[%get3A_6] : memref<4xi32, #tpu.memory_space<smem>>
      %le3A_8 = arith.constant 6 : i32
      %le3A_9 = arith.cmpi sle, %get3A_3, %le3A_8 : i32
      %get3A_10 = arith.constant 2 : i32
      %get3A_11 = arith.index_cast %get3A_10 : i32 to index
      %get3A_12 = memref.load %arg3[%get3A_11] : memref<4xi32, #tpu.memory_space<smem>>
      %get3A_13 = arith.constant 3 : i32
      %get3A_14 = arith.index_cast %get3A_13 : i32 to index
      %get3A_15 = memref.load %arg3[%get3A_14] : memref<4xi32, #tpu.memory_space<smem>>
      %select_n3A = arith.select %le3A_9, %get3A_12, %get3A_15 : i32
      %select_n3A_16 = arith.select %le3A_4, %get3A_7, %select_n3A : i32
      %eq3A_17 = arith.constant 0 : i32
      %eq3A_18 = arith.cmpi eq, %select_n3A_16, %eq3A_17 : i32
      %jit3A = arith.constant 1.000000e+00 : f32
      %jit3A_19 = arith.constant 0.000000e+00 : f32
      %select_n3A_20 = arith.select %eq3A_18, %jit3A, %jit3A_19 : f32
      %swap3A = arith.constant 0 : i32
      %swap3A_21 = arith.index_cast %swap3A : i32 to index
      %swap3A_22 = memref.load %arg4[%swap3A_21] : memref<10xf32, #tpu.memory_space<smem>>
      memref.store %select_n3A_20, %arg4[%swap3A_21] : memref<10xf32, #tpu.memory_space<smem>>
      %eq3A_23 = arith.constant 1 : i32
      %eq3A_24 = arith.cmpi eq, %select_n3A_16, %eq3A_23 : i32
      %jit3A_25 = arith.constant 1.000000e+00 : f32
      %jit3A_26 = arith.constant 0.000000e+00 : f32
      %select_n3A_27 = arith.select %eq3A_24, %jit3A_25, %jit3A_26 : f32
      %swap3A_28 = arith.constant 1 : i32
      %swap3A_29 = arith.index_cast %swap3A_28 : i32 to index
      %swap3A_30 = memref.load %arg4[%swap3A_29] : memref<10xf32, #tpu.memory_space<smem>>
      memref.store %select_n3A_27, %arg4[%swap3A_29] : memref<10xf32, #tpu.memory_space<smem>>
      %eq3A_31 = arith.constant 2 : i32
      %eq3A_32 = arith.cmpi eq, %select_n3A_16, %eq3A_31 : i32
      %jit3A_33 = arith.constant 1.000000e+00 : f32
      %jit3A_34 = arith.constant 0.000000e+00 : f32
      %select_n3A_35 = arith.select %eq3A_32, %jit3A_33, %jit3A_34 : f32
      %swap3A_36 = arith.constant 2 : i32
      %swap3A_37 = arith.index_cast %swap3A_36 : i32 to index
      %swap3A_38 = memref.load %arg4[%swap3A_37] : memref<10xf32, #tpu.memory_space<smem>>
      memref.store %select_n3A_35, %arg4[%swap3A_37] : memref<10xf32, #tpu.memory_space<smem>>
      %eq3A_39 = arith.constant 3 : i32
      %eq3A_40 = arith.cmpi eq, %select_n3A_16, %eq3A_39 : i32
      %jit3A_41 = arith.constant 1.000000e+00 : f32
      %jit3A_42 = arith.constant 0.000000e+00 : f32
      %select_n3A_43 = arith.select %eq3A_40, %jit3A_41, %jit3A_42 : f32
      %swap3A_44 = arith.constant 3 : i32
      %swap3A_45 = arith.index_cast %swap3A_44 : i32 to index
      %swap3A_46 = memref.load %arg4[%swap3A_45] : memref<10xf32, #tpu.memory_space<smem>>
      memref.store %select_n3A_43, %arg4[%swap3A_45] : memref<10xf32, #tpu.memory_space<smem>>
      %eq3A_47 = arith.constant 4 : i32
      %eq3A_48 = arith.cmpi eq, %select_n3A_16, %eq3A_47 : i32
      %jit3A_49 = arith.constant 1.000000e+00 : f32
      %jit3A_50 = arith.constant 0.000000e+00 : f32
      %select_n3A_51 = arith.select %eq3A_48, %jit3A_49, %jit3A_50 : f32
      %swap3A_52 = arith.constant 4 : i32
      %swap3A_53 = arith.index_cast %swap3A_52 : i32 to index
      %swap3A_54 = memref.load %arg4[%swap3A_53] : memref<10xf32, #tpu.memory_space<smem>>
      memref.store %select_n3A_51, %arg4[%swap3A_53] : memref<10xf32, #tpu.memory_space<smem>>
      %eq3A_55 = arith.constant 5 : i32
      %eq3A_56 = arith.cmpi eq, %select_n3A_16, %eq3A_55 : i32
      %jit3A_57 = arith.constant 1.000000e+00 : f32
      %jit3A_58 = arith.constant 0.000000e+00 : f32
      %select_n3A_59 = arith.select %eq3A_56, %jit3A_57, %jit3A_58 : f32
      %swap3A_60 = arith.constant 5 : i32
      %swap3A_61 = arith.index_cast %swap3A_60 : i32 to index
      %swap3A_62 = memref.load %arg4[%swap3A_61] : memref<10xf32, #tpu.memory_space<smem>>
      memref.store %select_n3A_59, %arg4[%swap3A_61] : memref<10xf32, #tpu.memory_space<smem>>
      %eq3A_63 = arith.constant 6 : i32
      %eq3A_64 = arith.cmpi eq, %select_n3A_16, %eq3A_63 : i32
      %jit3A_65 = arith.constant 1.000000e+00 : f32
      %jit3A_66 = arith.constant 0.000000e+00 : f32
      %select_n3A_67 = arith.select %eq3A_64, %jit3A_65, %jit3A_66 : f32
      %swap3A_68 = arith.constant 6 : i32
      %swap3A_69 = arith.index_cast %swap3A_68 : i32 to index
      %swap3A_70 = memref.load %arg4[%swap3A_69] : memref<10xf32, #tpu.memory_space<smem>>
      memref.store %select_n3A_67, %arg4[%swap3A_69] : memref<10xf32, #tpu.memory_space<smem>>
      %eq3A_71 = arith.constant 7 : i32
      %eq3A_72 = arith.cmpi eq, %select_n3A_16, %eq3A_71 : i32
      %jit3A_73 = arith.constant 1.000000e+00 : f32
      %jit3A_74 = arith.constant 0.000000e+00 : f32
      %select_n3A_75 = arith.select %eq3A_72, %jit3A_73, %jit3A_74 : f32
      %swap3A_76 = arith.constant 7 : i32
      %swap3A_77 = arith.index_cast %swap3A_76 : i32 to index
      %swap3A_78 = memref.load %arg4[%swap3A_77] : memref<10xf32, #tpu.memory_space<smem>>
      memref.store %select_n3A_75, %arg4[%swap3A_77] : memref<10xf32, #tpu.memory_space<smem>>
      %eq3A_79 = arith.constant 8 : i32
      %eq3A_80 = arith.cmpi eq, %select_n3A_16, %eq3A_79 : i32
      %jit3A_81 = arith.constant 1.000000e+00 : f32
      %jit3A_82 = arith.constant 0.000000e+00 : f32
      %select_n3A_83 = arith.select %eq3A_80, %jit3A_81, %jit3A_82 : f32
      %swap3A_84 = arith.constant 8 : i32
      %swap3A_85 = arith.index_cast %swap3A_84 : i32 to index
      %swap3A_86 = memref.load %arg4[%swap3A_85] : memref<10xf32, #tpu.memory_space<smem>>
      memref.store %select_n3A_83, %arg4[%swap3A_85] : memref<10xf32, #tpu.memory_space<smem>>
      %eq3A_87 = arith.constant 9 : i32
      %eq3A_88 = arith.cmpi eq, %select_n3A_16, %eq3A_87 : i32
      %jit3A_89 = arith.constant 1.000000e+00 : f32
      %jit3A_90 = arith.constant 0.000000e+00 : f32
      %select_n3A_91 = arith.select %eq3A_88, %jit3A_89, %jit3A_90 : f32
      %swap3A_92 = arith.constant 9 : i32
      %swap3A_93 = arith.index_cast %swap3A_92 : i32 to index
      %swap3A_94 = memref.load %arg4[%swap3A_93] : memref<10xf32, #tpu.memory_space<smem>>
      memref.store %select_n3A_91, %arg4[%swap3A_93] : memref<10xf32, #tpu.memory_space<smem>>
      %run_scoped3A = arith.constant 0 : i32
      "tpu.region"() ({
        %run_scoped3A_95 = tpu.sem_alloc : memref<!tpu.dma_semaphore, #tpu.memory_space<semaphore_mem>>
        %dma_start3A = arith.constant 0 : i32
        %dma_start3A_96 = tpu.memref_slice %arg2[%run_scoped3A, %dma_start3A] : memref<1x10xf32, #tpu.memory_space<hbm>> -> memref<1x10xf32, #tpu.memory_space<hbm>>
        %dma_start3A_97 = tpu.memref_squeeze %dma_start3A_96 : memref<1x10xf32, #tpu.memory_space<hbm>> -> memref<10xf32, #tpu.memory_space<hbm>>
        tpu.enqueue_dma source(%arg4 : memref<10xf32, #tpu.memory_space<smem>>) target(%dma_start3A_97 : memref<10xf32, #tpu.memory_space<hbm>>) target_semaphore(%run_scoped3A_95 : memref<!tpu.dma_semaphore, #tpu.memory_space<semaphore_mem>>)
        %dma_wait3A = arith.constant 0 : i32
        %dma_wait3A_98 = tpu.memref_slice %arg2[%run_scoped3A, %dma_wait3A] : memref<1x10xf32, #tpu.memory_space<hbm>> -> memref<1x10xf32, #tpu.memory_space<hbm>>
        %dma_wait3A_99 = tpu.memref_squeeze %dma_wait3A_98 : memref<1x10xf32, #tpu.memory_space<hbm>> -> memref<10xf32, #tpu.memory_space<hbm>>
        tpu.wait_dma2 semaphore(%run_scoped3A_95 : memref<!tpu.dma_semaphore, #tpu.memory_space<semaphore_mem>>) src(%arg4 : memref<10xf32, #tpu.memory_space<smem>>) dst(%dma_wait3A_99 : memref<10xf32, #tpu.memory_space<hbm>>)
        tpu.yield
      }) : () -> ()
    } else {
    }
    return
  }
}

</mosaic_0001>

<sc_bundles>
// kernel: kernel.3.cloned.1.call-start
scs
__scs_entry_jumppad:
0x0: {  	(pc) =	sbr.rel $0x88, $3  }
0x1: {  	(tag) =	ssettag $0x0;
	lr =	simm.s32 $0x1  }
0x2: {  	[smem:$0x3FA0] =	sst lr;
	_ =	strace $0xD0000000  }
0x3: {  	_ = 	snop  }
0x4: {  	_ = 	snop  }
0x5: {  	_ = 	snop  }
0x6: {  	_ = 	snop  }
0x7: {  	_ = 	snop  }
__scs_overlays_trampoline_lowered:
0x8: {  	[smem:$0x3FAF] =	sst s0  }
0x9: {  	[smem:$0x3FB0] =	sst s1  }
0xa: {  	[smem:$0x3FB1] =	sst s2  }
0xb: {  	[smem:$0x3FB2] =	sst s3  }
0xc: {  	[smem:$0x3FB3] =	sst s4  }
0xd: {  	[smem:$0x3FB4] =	sst s5  }
0xe: {  	[smem:$0x3FB5] =	sst s6  }
0xf: {  	[smem:$0x3FB6] =	sst s7  }
0x10: {  	[smem:$0x3FB7] =	sst s8  }
0x11: {  	[smem:$0x3FB8] =	sst s9;
	s0 =	simm.s32 @!p0 $0x0  }
0x12: {  	s1 =	sld [smem:$0x3F9E];
	s0 =	simm.s32 @p0 $0x1  }
0x13: {  	[smem:$0x3FB9] =	sst s0;
	s0 =	simm.s32 @!p1 $0x0  }
0x14: {  	s2 =	sld [smem:$0x3F9D];
	s0 =	simm.s32 @p1 $0x1  }
0x15: {  	[smem:$0x3FBA] =	sst s0;
	s0 =	simm.s32 @!p2 $0x0  }
0x16: {  	s3 =	sld [smem:$0x3FDB];
	s0 =	simm.s32 @p2 $0x1  }
0x17: {  	s4 =	simm.s32 $0x1BF5;
	[smem:$0x3FBC] =	sst s0  }
0x18: {  	s0 =	sld [smem:$0x3F9F];
	_ =	swait.ge [sflag:s4], $0x0  }
0x19: {  	s7 =	sld [smem:$0x3FA0]  }
0x1a: {  	s8 =	sadd.s32 $0xFFFFE003, lr  }
0x1b: {  	s9 =	sadd.s32 $0xFFFFFEF7, lr;
	s5 =	simm.s32 $0xFFFFFFFF;
	p2 =	slt.u32 s8, $0xFFFFF086  }
0x1c: {  	p1 =	slt.u32 s9, $0xF7A;
	s5 =	simm.s32 @!p2 $0x0  }
0x1d: {  	s5 =	simm.s32 @p1 $0x1;
	p0 =	seq.s32 s7, s2  }
0x1e: {  	s7 =	smul.u32 @!p0 $0xF7A, s2;
	p2 =	seq.s32 @!p0 s5, $0x0  }
0x1f: {  	s9 =	smul.u32 $0xF7A, s1;
	s8 =	simm.s32 @!p0 $0x1BF5;
	p2 =	por !p2, p0  }
0x20: {  	[sflag:s8] =	ssyncset.s32 @!p0 $0xFFFFF086;
	s6 =	sadd.s32 @!p0 s3, s7;
	s7 =	simm.s32 @!p0 $0x108  }
0x21: {  	s3 =	sadd.s32 s3, s9;
	s6 =	sadd.s32 @!p0 $0x88, s6;
	s7 =	simm.s32 @p2 $0x1082  }
0x22: {  	[simem:s7], [sflag:s8] =	dma.local @!p0 [hbm:s6], $0xF7A  }
0x23: {  	s9 =	sor.u32 $0xD0000000, s2;
	s6 =	simm.s32 $0x108;
	_ =	swait.ge @!p0 [sflag:s8], $0x0  }
0x24: {  	s3 =	sadd.s32 $0x88, s3;
	s6 =	simm.s32 @!p1 $0x1082;
	[sflag:s4] =	ssyncset.s32 $0xFFFFF086  }
0x25: {  	[simem:s6], [sflag:s4] =	dma.local [hbm:s3], $0xF7A  }
0x26: {  	[smem:$0x3FA0] =	sst s1;
	(tag) =	ssettag s2;
	_ =	strace s9  }
0x27: {  	s1 =	sld [smem:$0x3FB0]  }
0x28: {  	s2 =	sld [smem:$0x3FB1]  }
0x29: {  	s4 =	sld [smem:$0x3FB3]  }
0x2a: {  	p0 =	seq.s32 s5, $0x0;
	s5 =	sld [smem:$0x3FB4]  }
0x2b: {  	s6 =	sld [smem:$0x3FB5]  }
0x2c: {  	s7 =	sld [smem:$0x3FB6]  }
0x2d: {  	s3 =	simm.s32 $0x108;
	s8 =	sld [smem:$0x3FB7]  }
0x2e: {  	s3 =	simm.s32 @!p0 $0x1082;
	s9 =	sld [smem:$0x3FB8]  }
0x2f: {  	lr =	sadd.s32 s0, s3;
	s0 =	sld [smem:$0x3FAF]  }
0x30: {  	s3 =	sld [smem:$0x3FB2]  }
0x31: {  	[smem:$0x3FBB] =	sst s10  }
0x32: {  	s10 =	sld [smem:$0x3FB9];
	_ =	sdelay $0x3  }
0x33: {  	p0 =	seq.s32 s10, $0x1;
	s10 =	sld [smem:$0x3FBB];
	_ =	sdelay $0x3  }
0x34: {  	[smem:$0x3FBB] =	sst s10  }
0x35: {  	s10 =	sld [smem:$0x3FBA];
	_ =	sdelay $0x3  }
0x36: {  	p1 =	seq.s32 s10, $0x1;
	s10 =	sld [smem:$0x3FBB];
	_ =	sdelay $0x3  }
0x37: {  	[smem:$0x3FBB] =	sst s10  }
0x38: {  	s10 =	sld [smem:$0x3FBC]  }
0x39: {  	_ = 	snop;
	(pc) =	sbr.ind lr, $3  }
0x3a: {  	_ = 	snop  }
0x3b: {  	_ = 	snop  }
0x3c: {  	p2 =	seq.s32 s10, $0x1;
	s10 =	sld [smem:$0x3FBB]  }
0x3d: {  	_ =	shalt  }
0x3e: {  	_ =	shalt  }
0x3f: {  	_ =	shalt  }
0x40: {  	_ =	shalt  }
0x41: {  	_ =	shalt  }
0x42: {  	_ =	shalt  }
0x43: {  	_ =	shalt  }
0x44: {  	_ =	shalt  }
0x45: {  	_ =	shalt  }
0x46: {  	_ =	shalt  }
0x47: {  	_ =	shalt  }
0x48: {  	_ =	shalt  }
0x49: {  	_ =	shalt  }
0x4a: {  	_ =	shalt  }
0x4b: {  	_ =	shalt  }
0x4c: {  	_ =	shalt  }
0x4d: {  	_ =	shalt  }
0x4e: {  	_ =	shalt  }
0x4f: {  	_ =	shalt  }
0x50: {  	_ =	shalt  }
0x51: {  	_ =	shalt  }
0x52: {  	_ =	shalt  }
0x53: {  	_ =	shalt  }
0x54: {  	_ =	shalt  }
0x55: {  	_ =	shalt  }
0x56: {  	_ =	shalt  }
0x57: {  	_ =	shalt  }
0x58: {  	_ =	shalt  }
0x59: {  	_ =	shalt  }
0x5a: {  	_ =	shalt  }
0x5b: {  	_ =	shalt  }
0x5c: {  	_ =	shalt  }
0x5d: {  	_ =	shalt  }
0x5e: {  	_ =	shalt  }
0x5f: {  	_ =	shalt  }
0x60: {  	_ =	shalt  }
0x61: {  	_ =	shalt  }
0x62: {  	_ =	shalt  }
0x63: {  	_ =	shalt  }
0x64: {  	_ =	shalt  }
0x65: {  	_ =	shalt  }
0x66: {  	_ =	shalt  }
0x67: {  	_ =	shalt  }
0x68: {  	_ =	shalt  }
0x69: {  	_ =	shalt  }
0x6a: {  	_ =	shalt  }
0x6b: {  	_ =	shalt  }
0x6c: {  	_ =	shalt  }
0x6d: {  	_ =	shalt  }
0x6e: {  	_ =	shalt  }
0x6f: {  	_ =	shalt  }
0x70: {  	_ =	shalt  }
0x71: {  	_ =	shalt  }
0x72: {  	_ =	shalt  }
0x73: {  	_ =	shalt  }
0x74: {  	_ =	shalt  }
0x75: {  	_ =	shalt  }
0x76: {  	_ =	shalt  }
0x77: {  	_ =	shalt  }
0x78: {  	_ =	shalt  }
0x79: {  	_ =	shalt  }
0x7a: {  	_ =	shalt  }
0x7b: {  	_ =	shalt  }
0x7c: {  	_ =	shalt  }
0x7d: {  	_ =	shalt  }
0x7e: {  	_ =	shalt  }
0x7f: {  	_ =	shalt  }
0x80: {  	_ =	shalt  }
0x81: {  	_ =	shalt  }
0x82: {  	_ =	shalt  }
0x83: {  	_ =	shalt  }
0x84: {  	_ =	shalt  }
0x85: {  	_ =	shalt  }
0x86: {  	_ =	shalt  }
0x87: {  	_ =	shalt  }
.Lfunc_end0:
.L_simem_size_0:
called_computation_lowered:
.L_overlay_start_0:
0x88: {  	s0 =	sld [smem:$0x3FD9]  }
0x89: {  	s1 =	sld [smem:$0x3FFE];
	_ =	sdelay $0x3  }
0x8a: {  	s0 =	sadd.s32 s1, s0  }
0x8b: {  	[smem:$0x3FC7] =	sst s0  }
0x8c: {  	_ = 	snop  }
0x8d: {  	s20 =	sld [smem:$0x3FC9]  }
0x8e: {  	s0 =	sld [smem:$0x3FD0];
	(tm) =	ssettm $0x1  }
0x8f: {  	s2 =	sld [smem:$0x3FFB];
	_ =	sdelay $0x3  }
0x90: {  	_ =	strace s2  }
0x91: {  	s2 =	sld [smem:$0x3FFC];
	_ =	sdelay $0x3  }
0x92: {  	_ =	strace s2  }
0x93: {  	s2 =	sld [smem:$0x3FFD];
	_ =	sdelay $0x3  }
0x94: {  	_ =	strace s2  }
0x95: {  	s21 =	simm.s32 $0x1B8B;
	_ =	strace $0x8FFFFFFF  }
0x96: {  	_ =	swait.ge [sflag:s21], $0x1  }
0x97: {  	[sflag:s21] =	ssyncset.done $0x0  }
0x98: {  	s22 =	simm.s32 $0x1B8E;
	[sflag:s21] =	ssyncadd.s32 $0xFFFFFFFF  }
0x99: {  	[smem:$0x3FD2] =	sst s22  }
0x9a: {  	s23 =	simm.s32 $0x9;
	s3 =	simm.s32 $0x10;
	_ =	strace $0x80000046  }
0x9b: {  	[smem:s3], [sflag:s23] =	dma.local [hbm:s20], $0x10  }
0x9c: {  	_ =	swait.ge [sflag:s23], $0x10  }
0x9d: {  	[sflag:s23] =	ssyncset.done $0x0  }
0x9e: {  	[sflag:s23] =	ssyncadd.s32 $0xFFFFFFF0  }
0x9f: {  	s24 =	sld [smem:$0x10];
	_ =	sdelay $0x3  }
0xa0: {  	s3 =	simm.s32 $0x12;
	p0 =	slt.s32 s24, $0x7  }
0xa1: {  	p1 =	slt.s32 s24, $0x4;
	s3 =	simm.s32 @!p0 $0x13  }
0xa2: {  	s3 =	simm.s32 @p1 $0x11  }
0xa3: {  	s25 =	sld [smem:s3+$0x0];
	_ =	sdelay $0x3  }
0xa4: {  	s3 =	simm.f32 $1.000000000e+00;
	p0 =	seq.s32 s25, $0x0  }
0xa5: {  	s3 =	simm.s32 @!p0 $0x0  }
0xa6: {  	p0 =	seq.s32 s25, $0x1;
	[smem:$0x90] =	sst s3;
	s3 =	simm.f32 $1.000000000e+00  }
0xa7: {  	s4 =	simm.f32 $1.000000000e+00;
	s3 =	simm.s32 @!p0 $0x0;
	p0 =	seq.s32 s25, $0x2  }
0xa8: {  	[smem:$0x91] =	sst s3;
	s4 =	simm.s32 @!p0 $0x0  }
0xa9: {  	p0 =	seq.s32 s25, $0x3;
	s3 =	simm.f32 $1.000000000e+00;
	[smem:$0x92] =	sst s4  }
0xaa: {  	s3 =	simm.s32 @!p0 $0x0;
	p0 =	seq.s32 s25, $0x4;
	s4 =	simm.f32 $1.000000000e+00  }
0xab: {  	[smem:$0x93] =	sst s3;
	s4 =	simm.s32 @!p0 $0x0  }
0xac: {  	p0 =	seq.s32 s25, $0x5;
	s3 =	simm.f32 $1.000000000e+00;
	[smem:$0x94] =	sst s4  }
0xad: {  	s3 =	simm.s32 @!p0 $0x0;
	p0 =	seq.s32 s25, $0x6;
	s4 =	simm.f32 $1.000000000e+00  }
0xae: {  	s5 =	simm.f32 $1.000000000e+00;
	[smem:$0x95] =	sst s3;
	s4 =	simm.s32 @!p0 $0x0  }
0xaf: {  	p0 =	seq.s32 s25, $0x7;
	s3 =	simm.f32 $1.000000000e+00;
	[smem:$0x96] =	sst s4  }
0xb0: {  	s3 =	simm.s32 @!p0 $0x0;
	p0 =	seq.s32 s25, $0x8;
	s4 =	simm.f32 $1.000000000e+00  }
0xb1: {  	[smem:$0x97] =	sst s3;
	s4 =	simm.s32 @!p0 $0x0;
	p0 =	seq.s32 s25, $0x9  }
0xb2: {  	[smem:$0x98] =	sst s4;
	s5 =	simm.s32 @!p0 $0x0  }
0xb3: {  	s26 =	simm.s32 $0x90;
	[smem:$0x99] =	sst s5  }
0xb4: {  	[hbm:s0], [sflag:s23] =	dma.local [smem:s26], $0x10  }
0xb5: {  	_ =	swait.ge [sflag:s23], $0x10  }
0xb6: {  	[sflag:s23] =	ssyncset.done $0x0  }
0xb7: {  	[sflag:s23] =	ssyncadd.s32 $0xFFFFFFF0  }
0xb8: {  	_ =	strace $0x90000046  }
0xb9: {  	_ =	sfence  }
0xba: {  	s28 =	sld [smem:$0x0];
	_ =	sdelay $0x1  }
0xbb: {  	s29 =	srdreg.scid  }
0xbc: {  	s30 =	sshll.u32 s29, $0xD;
	s31 =	sshrl.u32 s29, $0x2  }
0xbd: {  	s1 =	sand.u32 $0x1, s29;
	s2 =	sand.u32 $0x4000, s30;
	s0 =	sadd.s32 s31, s28  }
0xbe: {  	s1 =	sor.u32 s2, s1;
	s0 =	sshll.u32 s0, $0x11  }
0xbf: {  	s0 =	sor.u32 s0, s1  }
0xc0: {  	s0 =	sadd.s32 $0x8F2B, s0;
	(pc) =	sbr.abs _section_cstart, $3  }
0xc1: {  	[sflag:s0] =	ssyncadd.remote.s32 $0x1  }
0xc2: {  	_ =	strace $0x9FFFFFFF  }
0xc3: {  	(tm) =	ssettm $0x7FFFFFFF  }

</sc_bundles>
